<compile_context>
chip_gen: v7x
topology: tpu7x:2x2x1
jax: 0.10.2.dev20260603
libtpu: 0.0.44.dev20260713+nightly
codegen_flags: <defaults>
</compile_context>

<pallas_src>
import functools

import jax
import jax.numpy as jnp
from jax import lax
from jax.experimental import pallas as pl
from jax.experimental.pallas import tpu as pltpu
from jax.experimental.pallas import tpu_sc as plsc

_SC_NC = 2
_SC_NS = 16
_SC_NW = _SC_NC * _SC_NS


def _sq_norm_kernel(emb_ref, se_ref, epad_ref):
    emb = emb_ref[...]
    emb2 = emb * emb
    ones = jnp.ones((1, emb2.shape[1]), jnp.float32)
    se_ref[...] = jax.lax.dot_general(
        ones, emb2, (((1,), (1,)), ((), ())),
        precision=jax.lax.Precision.HIGHEST,
        preferred_element_type=jnp.float32)
    d = emb.shape[1]
    epad_ref[:, :d] = emb
    epad_ref[:, d:] = jnp.zeros_like(emb)


def _vq_block_kernel(f_ref, w_ref, b_ref, g_ref, bb_ref, emb_ref, se_ref,
                     iota_ref, idx_ref, enc_ref):
    x = jnp.dot(f_ref[...], w_ref[...],
                preferred_element_type=jnp.float32) + b_ref[...]
    mu = jnp.mean(x, axis=-1, keepdims=True)
    var = jnp.mean((x - mu) ** 2, axis=-1, keepdims=True)
    xn = (x - mu) / jnp.sqrt(var + 1e-5) * g_ref[...] + bb_ref[...]

    emb = emb_ref[...]
    sf = jnp.sum(xn * xn, axis=1, keepdims=True)
    mm_n2 = jax.lax.dot_general(xn * (-2.0), emb, (((1,), (1,)), ((), ())),
                                preferred_element_type=jnp.float32)
    dist = (sf + se_ref[...]) + mm_n2

    k = emb.shape[0]
    minval = jnp.min(dist, axis=1, keepdims=True)
    iota = iota_ref[...]
    idx_f = jnp.min(jnp.where(dist == minval, iota, float(k)),
                    axis=1, keepdims=True)
    idx_ref[...] = idx_f.astype(jnp.int32)

    enc = (iota == idx_f).astype(jnp.float32)
    enc_ref[...] = enc


def _sc_gather(emb_pad, idx_flat, d):
    n = idx_flat.shape[0]
    k, d_pad = emb_pad.shape
    b_per_w = n // _SC_NW

    mesh = plsc.VectorSubcoreMesh(core_axis_name="c", subcore_axis_name="s")

    @functools.partial(
        pl.kernel, mesh=mesh,
        out_type=jax.ShapeDtypeStruct((n, d_pad), jnp.float32),
        scratch_types=[
            pltpu.VMEM((b_per_w,), jnp.int32),
            pltpu.VMEM((b_per_w, d_pad), jnp.float32),
            pltpu.SemaphoreType.DMA,
        ],
    )
    def gather_kernel(emb_hbm, idx_hbm, out_hbm, idx_v, rows_v, sem):
        wid = lax.axis_index("s") * _SC_NC + lax.axis_index("c")
        base = wid * b_per_w
        pltpu.sync_copy(idx_hbm.at[pl.ds(base, b_per_w)], idx_v)
        pltpu.async_copy(emb_hbm.at[idx_v], rows_v, sem).wait()
        pltpu.sync_copy(rows_v, out_hbm.at[pl.ds(base, b_per_w)])

    return gather_kernel(emb_pad, idx_flat)[:, :d]


@jax.jit
def kernel(features, proj_w, proj_b, ln_g, ln_b, emb):
    b_sz, t_sz, nhidden = features.shape
    n = b_sz * t_sz
    k, d = emb.shape
    flat_f = features.reshape(n, nhidden)

    se, emb_pad = pl.pallas_call(
        _sq_norm_kernel,
        out_shape=[
            jax.ShapeDtypeStruct((1, k), jnp.float32),
            jax.ShapeDtypeStruct((k, 128), jnp.float32),
        ],
    )(emb)

    blk = 256
    grid = (n // blk,)

    idx, enc = pl.pallas_call(
        _vq_block_kernel,
        grid=grid,
        in_specs=[
            pl.BlockSpec((blk, nhidden), lambda i: (i, 0)),
            pl.BlockSpec((nhidden, d), lambda i: (0, 0)),
            pl.BlockSpec((1, d), lambda i: (0, 0)),
            pl.BlockSpec((1, d), lambda i: (0, 0)),
            pl.BlockSpec((1, d), lambda i: (0, 0)),
            pl.BlockSpec((k, d), lambda i: (0, 0)),
            pl.BlockSpec((1, k), lambda i: (0, 0)),
            pl.BlockSpec((1, k), lambda i: (0, 0)),
        ],
        out_specs=[
            pl.BlockSpec((blk, 1), lambda i: (i, 0)),
            pl.BlockSpec((blk, k), lambda i: (i, 0)),
        ],
        out_shape=[
            jax.ShapeDtypeStruct((n, 1), jnp.int32),
            jax.ShapeDtypeStruct((n, k), jnp.float32),
        ],
        compiler_params=pltpu.CompilerParams(
            dimension_semantics=("arbitrary",)),
    )(flat_f, proj_w, proj_b.reshape(1, d), ln_g.reshape(1, d),
      ln_b.reshape(1, d), emb, se,
      jnp.arange(k, dtype=jnp.float32).reshape(1, k))

    q = _sc_gather(emb_pad, idx.reshape(n), d)
    return (q.reshape(b_sz, t_sz, d), idx, enc)

# --- scband reference (transcript-rebuilt; emitter-appended) ---
"""Pipeline reference for scband-base-vector-quantizer-9861244911832 (READ-ONLY COPY).

The authoritative reference and input builder live on the scoring server;
editing this copy changes nothing except your own understanding.
"""

import jax, jax.numpy as jnp
import numpy as np


def _layernorm(x, g, b, eps=1e-5):
    mu = jnp.mean(x, axis=-1, keepdims=True)
    var = jnp.var(x, axis=-1, keepdims=True)
    return (x - mu) / jnp.sqrt(var + eps) * g + b


def setup_inputs(seed: int = 0):
    key = jax.random.key(seed)
    ks = jax.random.split(key, 4)
    B, T, nhidden, d, K = 4, 1024, 384, 64, 8192
    features = jax.random.normal(ks[0], (B, T, nhidden), dtype=jnp.float32)
    proj_w = jax.random.normal(ks[1], (nhidden, d), dtype=jnp.float32) * (1.0 / np.sqrt(nhidden))
    proj_b = jnp.zeros((d,), dtype=jnp.float32)
    ln_g = jnp.ones((d,), dtype=jnp.float32)
    ln_b = jnp.zeros((d,), dtype=jnp.float32)
    emb = jax.random.uniform(ks[2], (K, d), dtype=jnp.float32, minval=-1.0 / K, maxval=1.0 / K)
    return {"features": features, "proj_w": proj_w, "proj_b": proj_b, "ln_g": ln_g, "ln_b": ln_b, "emb": emb}


def reference(features, proj_w, proj_b, ln_g, ln_b, emb):
    # sample(): features = self.proj(features); gumble=False -> vq_sample path
    x = features @ proj_w + proj_b
    input_shape = x.shape
    xn = _layernorm(x, ln_g, ln_b)
    flat = xn.reshape(-1, emb.shape[1])
    # euclidian distance: ||u||^2 + ||v||^2 - 2 u v^T
    dist = (jnp.sum(flat ** 2, axis=1, keepdims=True)
            + jnp.sum(emb ** 2, axis=1)
            - 2.0 * (flat @ emb.T))
    idx = jnp.argmin(dist, axis=1)
    encodings = jax.nn.one_hot(idx, emb.shape[0], dtype=flat.dtype)
    quantized = encodings @ emb
    encoding_indices = idx.reshape(-1, 1)
    # returns (quantized, encoding_indices, encodings, slots=None, None); we return arrays
    return (quantized.reshape(input_shape), encoding_indices, encodings)

if __name__ == "__main__":
    import jax
    _d = setup_inputs()
    print(jax.jit(kernel)(*tuple(_d.values())))

</pallas_src>

<mosaic_0001>
#map = affine_map<(d0, d1) -> (0, 0)>
#map1 = affine_map<(d0, d1) -> (0)>
module attributes {stable_mosaic.version = 14 : i64} {
  func.func @gather_kernel(%arg0: i32, %arg1: i32, %arg2: memref<8192x128xf32, #tpu.memory_space<hbm>>, %arg3: memref<4096xi32, #tpu.memory_space<hbm>>, %arg4: memref<4096x128xf32, #tpu.memory_space<hbm>>, %arg5: memref<128xi32, #tpu.memory_space<vmem>>, %arg6: memref<128x128xf32, #tpu.memory_space<vmem>>, %arg7: memref<!tpu.dma_semaphore, #tpu.memory_space<semaphore_mem>>) attributes {dimension_semantics = [#tpu.dimension_semantics<core_parallel>, #tpu.dimension_semantics<subcore_parallel>], iteration_bounds = array<i64: 2, 16>, scalar_prefetch = 0 : i64, scratch_operands = 3 : i64, tpu.core_type = #tpu.core_type<sc_vector_subcore>, window_params = [{transform_indices = #map}, {transform_indices = #map1}, {transform_indices = #map}]} {
    %mul3A = arith.constant 2 : i32
    %mul3A_0 = arith.muli %arg1, %mul3A : i32
    %add3A = arith.addi %mul3A_0, %arg0 : i32
    %mul3A_1 = arith.constant 128 : i32
    %mul3A_2 = arith.muli %add3A, %mul3A_1 : i32
    "tpu.region"() ({
      %run_scoped3A = tpu.sem_alloc : memref<!tpu.dma_semaphore, #tpu.memory_space<semaphore_mem>>
      %dma_start3A_7 = tpu.memref_slice %arg3[%mul3A_2] : memref<4096xi32, #tpu.memory_space<hbm>> -> memref<128xi32, #tpu.memory_space<hbm>>
      %dma_start3A_8 = tpu.memref_slice %arg3[%mul3A_2] : memref<4096xi32, #tpu.memory_space<hbm>> -> memref<128xi32, #tpu.memory_space<hbm>>
      tpu.enqueue_dma source(%dma_start3A_8 : memref<128xi32, #tpu.memory_space<hbm>>) target(%arg5 : memref<128xi32, #tpu.memory_space<vmem>>) target_semaphore(%run_scoped3A : memref<!tpu.dma_semaphore, #tpu.memory_space<semaphore_mem>>)
      %dma_wait3A_9 = tpu.memref_slice %arg3[%mul3A_2] : memref<4096xi32, #tpu.memory_space<hbm>> -> memref<128xi32, #tpu.memory_space<hbm>>
      %dma_wait3A_10 = tpu.memref_slice %arg3[%mul3A_2] : memref<4096xi32, #tpu.memory_space<hbm>> -> memref<128xi32, #tpu.memory_space<hbm>>
      tpu.wait_dma2 semaphore(%run_scoped3A : memref<!tpu.dma_semaphore, #tpu.memory_space<semaphore_mem>>) src(%dma_wait3A_10 : memref<128xi32, #tpu.memory_space<hbm>>) dst(%arg5 : memref<128xi32, #tpu.memory_space<vmem>>)
      tpu.yield
    }) : () -> ()
    %dma_start3A = arith.constant 0 : i32
    %dma_start3A_3 = arith.constant 0 : i32
    %dma_start3A_4 = tpu.memref_slice %arg2[%dma_start3A, %dma_start3A_3] : memref<8192x128xf32, #tpu.memory_space<hbm>> -> memref<8192x128xf32, #tpu.memory_space<hbm>>
    tpu.enqueue_indirect_dma source(%dma_start3A_4 : memref<8192x128xf32, #tpu.memory_space<hbm>>) target(%arg6 : memref<128x128xf32, #tpu.memory_space<vmem>>) offsets(%arg5 : memref<128xi32, #tpu.memory_space<vmem>>) semaphore(%arg7 : memref<!tpu.dma_semaphore, #tpu.memory_space<semaphore_mem>>)
    %dma_wait3A = arith.constant 0 : i32
    %dma_wait3A_5 = arith.constant 0 : i32
    %dma_wait3A_6 = tpu.memref_slice %arg2[%dma_wait3A, %dma_wait3A_5] : memref<8192x128xf32, #tpu.memory_space<hbm>> -> memref<8192x128xf32, #tpu.memory_space<hbm>>
    tpu.wait_indirect_dma semaphore(%arg7 : memref<!tpu.dma_semaphore, #tpu.memory_space<semaphore_mem>>) src(%dma_wait3A_6 : memref<8192x128xf32, #tpu.memory_space<hbm>>) dst(%arg6 : memref<128x128xf32, #tpu.memory_space<vmem>>)
    "tpu.region"() ({
      %run_scoped3A = tpu.sem_alloc : memref<!tpu.dma_semaphore, #tpu.memory_space<semaphore_mem>>
      %dma_start3A_7 = arith.constant 0 : i32
      %dma_start3A_8 = tpu.memref_slice %arg4[%mul3A_2, %dma_start3A_7] : memref<4096x128xf32, #tpu.memory_space<hbm>> -> memref<128x128xf32, #tpu.memory_space<hbm>>
      %dma_start3A_9 = arith.constant 0 : i32
      %dma_start3A_10 = tpu.memref_slice %arg4[%mul3A_2, %dma_start3A_9] : memref<4096x128xf32, #tpu.memory_space<hbm>> -> memref<128x128xf32, #tpu.memory_space<hbm>>
      tpu.enqueue_dma source(%arg6 : memref<128x128xf32, #tpu.memory_space<vmem>>) target(%dma_start3A_10 : memref<128x128xf32, #tpu.memory_space<hbm>>) target_semaphore(%run_scoped3A : memref<!tpu.dma_semaphore, #tpu.memory_space<semaphore_mem>>)
      %dma_wait3A_11 = arith.constant 0 : i32
      %dma_wait3A_12 = tpu.memref_slice %arg4[%mul3A_2, %dma_wait3A_11] : memref<4096x128xf32, #tpu.memory_space<hbm>> -> memref<128x128xf32, #tpu.memory_space<hbm>>
      %dma_wait3A_13 = arith.constant 0 : i32
      %dma_wait3A_14 = tpu.memref_slice %arg4[%mul3A_2, %dma_wait3A_13] : memref<4096x128xf32, #tpu.memory_space<hbm>> -> memref<128x128xf32, #tpu.memory_space<hbm>>
      tpu.wait_dma2 semaphore(%run_scoped3A : memref<!tpu.dma_semaphore, #tpu.memory_space<semaphore_mem>>) src(%arg6 : memref<128x128xf32, #tpu.memory_space<vmem>>) dst(%dma_wait3A_14 : memref<128x128xf32, #tpu.memory_space<hbm>>)
      tpu.yield
    }) : () -> ()
    return
  }
}

module attributes {stable_mosaic.version = 14 : i64} {
  func.func @_sq_norm_kernel(%arg0: memref<8192x64xf32, #tpu.memory_space<vmem>>, %arg1: memref<1x8192xf32, #tpu.memory_space<vmem>>, %arg2: memref<8192x128xf32, #tpu.memory_space<vmem>>) attributes {dimension_semantics = [], scalar_prefetch = 0 : i64, scratch_operands = 0 : i64, tpu.core_type = #tpu.core_type<tc>} {
    %get3A = arith.constant 0 : index
    %get3A_0 = arith.constant 0 : index
    %get3A_1 = vector.load %arg0[%get3A, %get3A_0] : memref<8192x64xf32, #tpu.memory_space<vmem>>, vector<8192x64xf32>
    %mul3A = arith.mulf %get3A_1, %get3A_1 : vector<8192x64xf32>
    %broadcast_in_dim3A = arith.constant 1.000000e+00 : f32
    %broadcast_in_dim3A_2 = vector.broadcast %broadcast_in_dim3A : f32 to vector<1x64xf32>
    %dot_general3A = arith.constant dense<0.000000e+00> : vector<1x8192xf32>
    %dot_general3A_3 = tpu.matmul %broadcast_in_dim3A_2, %mul3A, %dot_general3A {dimension_numbers = #tpu.dot_dimension_numbers<[1], [1], [0], [0], [0, 0, 1, 0], [], []>, precision = #tpu.contract_precision<fp32>, transpose_lhs_hint = false} : vector<1x64xf32>, vector<8192x64xf32>, vector<1x8192xf32> -> vector<1x8192xf32>
    %swap3A = arith.constant 0 : index
    %swap3A_4 = arith.constant 0 : index
    %swap3A_5 = vector.load %arg1[%swap3A, %swap3A_4] : memref<1x8192xf32, #tpu.memory_space<vmem>>, vector<1x8192xf32>
    tpu.vector_store %arg1[%swap3A, %swap3A_4], %dot_general3A_3 {strides = array<i32>} : memref<1x8192xf32, #tpu.memory_space<vmem>>, vector<1x8192xf32>,
    %swap3A_6 = arith.constant 0 : index
    %swap3A_7 = arith.constant 0 : index
    %swap3A_8 = vector.load %arg2[%swap3A_6, %swap3A_7] : memref<8192x128xf32, #tpu.memory_space<vmem>>, vector<8192x64xf32>
    tpu.vector_store %arg2[%swap3A_6, %swap3A_7], %get3A_1 {strides = array<i32>} : memref<8192x128xf32, #tpu.memory_space<vmem>>, vector<8192x64xf32>,
    %broadcast_in_dim3A_9 = arith.constant 0.000000e+00 : f32
    %broadcast_in_dim3A_10 = vector.broadcast %broadcast_in_dim3A_9 : f32 to vector<8192x64xf32>
    %swap3A_11 = arith.constant 0 : index
    %swap3A_12 = arith.constant 64 : index
    %swap3A_13 = vector.load %arg2[%swap3A_11, %swap3A_12] : memref<8192x128xf32, #tpu.memory_space<vmem>>, vector<8192x64xf32>
    tpu.vector_store %arg2[%swap3A_11, %swap3A_12], %broadcast_in_dim3A_10 {strides = array<i32>} : memref<8192x128xf32, #tpu.memory_space<vmem>>, vector<8192x64xf32>,
    return
  }
}

module attributes {stable_mosaic.version = 14 : i64} {
  func.func @_vq_block_kernel(%arg0: i32, %arg1: memref<256x384xf32, #tpu.memory_space<vmem>>, %arg2: memref<384x64xf32, #tpu.memory_space<vmem>>, %arg3: memref<1x64xf32, #tpu.memory_space<vmem>>, %arg4: memref<1x64xf32, #tpu.memory_space<vmem>>, %arg5: memref<1x64xf32, #tpu.memory_space<vmem>>, %arg6: memref<8192x64xf32, #tpu.memory_space<vmem>>, %arg7: memref<1x8192xf32, #tpu.memory_space<vmem>>, %arg8: memref<1x8192xf32, #tpu.memory_space<vmem>>, %arg9: memref<256x1xi32, #tpu.memory_space<vmem>>, %arg10: memref<256x8192xf32, #tpu.memory_space<vmem>>) attributes {dimension_semantics = [#tpu.dimension_semantics<arbitrary>], iteration_bounds = array<i64: 16>, scalar_prefetch = 0 : i64, scratch_operands = 0 : i64, tpu.core_type = #tpu.core_type<tc>, window_params = [{transform_indices = @transform_0, window_bounds = array<i64: 256, 384>}, {pipeline_mode = #tpu.pipeline_mode<synchronous>, transform_indices = @transform_1, window_bounds = array<i64: 384, 64>}, {pipeline_mode = #tpu.pipeline_mode<synchronous>, transform_indices = @transform_2, window_bounds = array<i64: 1, 64>}, {pipeline_mode = #tpu.pipeline_mode<synchronous>, transform_indices = @transform_3, window_bounds = array<i64: 1, 64>}, {pipeline_mode = #tpu.pipeline_mode<synchronous>, transform_indices = @transform_4, window_bounds = array<i64: 1, 64>}, {pipeline_mode = #tpu.pipeline_mode<synchronous>, transform_indices = @transform_5, window_bounds = array<i64: 8192, 64>}, {pipeline_mode = #tpu.pipeline_mode<synchronous>, transform_indices = @transform_6, window_bounds = array<i64: 1, 8192>}, {pipeline_mode = #tpu.pipeline_mode<synchronous>, transform_indices = @transform_7, window_bounds = array<i64: 1, 8192>}, {transform_indices = @transform_8, window_bounds = array<i64: 256, 1>}, {transform_indices = @transform_9, window_bounds = array<i64: 256, 8192>}]} {
    %get3A = arith.constant 0 : index
    %get3A_0 = arith.constant 0 : index
    %get3A_1 = vector.load %arg1[%get3A, %get3A_0] : memref<256x384xf32, #tpu.memory_space<vmem>>, vector<256x384xf32>
    %get3A_2 = arith.constant 0 : index
    %get3A_3 = arith.constant 0 : index
    %get3A_4 = vector.load %arg2[%get3A_2, %get3A_3] : memref<384x64xf32, #tpu.memory_space<vmem>>, vector<384x64xf32>
    %dot_general3A = arith.constant dense<0.000000e+00> : vector<256x64xf32>
    %dot_general3A_5 = tpu.matmul %get3A_1, %get3A_4, %dot_general3A {dimension_numbers = #tpu.dot_dimension_numbers<[1], [0], [0], [1], [0, 0, 1, 1], [], []>, transpose_lhs_hint = false} : vector<256x384xf32>, vector<384x64xf32>, vector<256x64xf32> -> vector<256x64xf32>
    %get3A_6 = arith.constant 0 : index
    %get3A_7 = arith.constant 0 : index
    %get3A_8 = vector.load %arg3[%get3A_6, %get3A_7] : memref<1x64xf32, #tpu.memory_space<vmem>>, vector<1x64xf32>
    %add3A = vector.broadcast %get3A_8 : vector<1x64xf32> to vector<256x64xf32>
    %add3A_9 = arith.addf %dot_general3A_5, %add3A : vector<256x64xf32>
    %reduce_sum3A = arith.constant dense<0.000000e+00> : vector<256xf32>
    %reduce_sum3A_10 = vector.multi_reduction <add>, %add3A_9, %reduce_sum3A [1] : vector<256x64xf32> to vector<256xf32>
    %broadcast_in_dim3A = vector.shape_cast %reduce_sum3A_10 : vector<256xf32> to vector<256x1xf32>
    %div3A = arith.constant 6.400000e+01 : f32
    %div3A_11 = vector.broadcast %div3A : f32 to vector<256x1xf32>
    %div3A_12 = arith.divf %broadcast_in_dim3A, %div3A_11 : vector<256x1xf32>
    %sub3A = vector.broadcast %div3A_12 : vector<256x1xf32> to vector<256x64xf32>
    %sub3A_13 = arith.subf %add3A_9, %sub3A : vector<256x64xf32>
    %integer_pow3A = arith.mulf %sub3A_13, %sub3A_13 : vector<256x64xf32>
    %reduce_sum3A_14 = arith.constant dense<0.000000e+00> : vector<256xf32>
    %reduce_sum3A_15 = vector.multi_reduction <add>, %integer_pow3A, %reduce_sum3A_14 [1] : vector<256x64xf32> to vector<256xf32>
    %broadcast_in_dim3A_16 = vector.shape_cast %reduce_sum3A_15 : vector<256xf32> to vector<256x1xf32>
    %div3A_17 = arith.constant 6.400000e+01 : f32
    %div3A_18 = vector.broadcast %div3A_17 : f32 to vector<256x1xf32>
    %div3A_19 = arith.divf %broadcast_in_dim3A_16, %div3A_18 : vector<256x1xf32>
    %sub3A_20 = vector.broadcast %div3A_12 : vector<256x1xf32> to vector<256x64xf32>
    %sub3A_21 = arith.subf %add3A_9, %sub3A_20 : vector<256x64xf32>
    %add3A_22 = arith.constant 9.99999974E-6 : f32
    %add3A_23 = vector.broadcast %add3A_22 : f32 to vector<256x1xf32>
    %add3A_24 = arith.addf %div3A_19, %add3A_23 : vector<256x1xf32>
    %sqrt3A = math.sqrt %add3A_24 : vector<256x1xf32>
    %div3A_25 = vector.broadcast %sqrt3A : vector<256x1xf32> to vector<256x64xf32>
    %div3A_26 = arith.divf %sub3A_21, %div3A_25 : vector<256x64xf32>
    %get3A_27 = arith.constant 0 : index
    %get3A_28 = arith.constant 0 : index
    %get3A_29 = vector.load %arg4[%get3A_27, %get3A_28] : memref<1x64xf32, #tpu.memory_space<vmem>>, vector<1x64xf32>
    %mul3A = vector.broadcast %get3A_29 : vector<1x64xf32> to vector<256x64xf32>
    %mul3A_30 = arith.mulf %div3A_26, %mul3A : vector<256x64xf32>
    %get3A_31 = arith.constant 0 : index
    %get3A_32 = arith.constant 0 : index
    %get3A_33 = vector.load %arg5[%get3A_31, %get3A_32] : memref<1x64xf32, #tpu.memory_space<vmem>>, vector<1x64xf32>
    %add3A_34 = vector.broadcast %get3A_33 : vector<1x64xf32> to vector<256x64xf32>
    %add3A_35 = arith.addf %mul3A_30, %add3A_34 : vector<256x64xf32>
    %get3A_36 = arith.constant 0 : index
    %get3A_37 = arith.constant 0 : index
    %get3A_38 = vector.load %arg6[%get3A_36, %get3A_37] : memref<8192x64xf32, #tpu.memory_space<vmem>>, vector<8192x64xf32>
    %mul3A_39 = arith.mulf %add3A_35, %add3A_35 : vector<256x64xf32>
    %reduce_sum3A_40 = arith.constant dense<0.000000e+00> : vector<256xf32>
    %reduce_sum3A_41 = vector.multi_reduction <add>, %mul3A_39, %reduce_sum3A_40 [1] : vector<256x64xf32> to vector<256xf32>
    %broadcast_in_dim3A_42 = vector.shape_cast %reduce_sum3A_41 : vector<256xf32> to vector<256x1xf32>
    %mul3A_43 = arith.constant -2.000000e+00 : f32
    %mul3A_44 = vector.broadcast %mul3A_43 : f32 to vector<256x64xf32>
    %mul3A_45 = arith.mulf %add3A_35, %mul3A_44 : vector<256x64xf32>
    %dot_general3A_46 = arith.constant dense<0.000000e+00> : vector<256x8192xf32>
    %dot_general3A_47 = tpu.matmul %mul3A_45, %get3A_38, %dot_general3A_46 {dimension_numbers = #tpu.dot_dimension_numbers<[1], [1], [0], [0], [0, 0, 1, 0], [], []>, transpose_lhs_hint = false} : vector<256x64xf32>, vector<8192x64xf32>, vector<256x8192xf32> -> vector<256x8192xf32>
    %get3A_48 = arith.constant 0 : index
    %get3A_49 = arith.constant 0 : index
    %get3A_50 = vector.load %arg7[%get3A_48, %get3A_49] : memref<1x8192xf32, #tpu.memory_space<vmem>>, vector<1x8192xf32>
    %add3A_51 = vector.broadcast %broadcast_in_dim3A_42 : vector<256x1xf32> to vector<256x8192xf32>
    %add3A_52 = vector.broadcast %get3A_50 : vector<1x8192xf32> to vector<256x8192xf32>
    %add3A_53 = arith.addf %add3A_51, %add3A_52 : vector<256x8192xf32>
    %add3A_54 = arith.addf %add3A_53, %dot_general3A_47 : vector<256x8192xf32>
    %reduce_min3A = arith.constant dense<0x7F800000> : vector<256xf32>
    %reduce_min3A_55 = vector.multi_reduction <minimumf>, %add3A_54, %reduce_min3A [1] : vector<256x8192xf32> to vector<256xf32>
    %broadcast_in_dim3A_56 = vector.shape_cast %reduce_min3A_55 : vector<256xf32> to vector<256x1xf32>
    %get3A_57 = arith.constant 0 : index
    %get3A_58 = arith.constant 0 : index
    %get3A_59 = vector.load %arg8[%get3A_57, %get3A_58] : memref<1x8192xf32, #tpu.memory_space<vmem>>, vector<1x8192xf32>
    %eq3A = vector.broadcast %broadcast_in_dim3A_56 : vector<256x1xf32> to vector<256x8192xf32>
    %eq3A_60 = arith.cmpf oeq, %add3A_54, %eq3A : vector<256x8192xf32>
    %jit3A = arith.constant 8.192000e+03 : f32
    %broadcast_in_dim3A_61 = vector.shape_cast %get3A_59 : vector<1x8192xf32> to vector<1x8192xf32>
    %broadcast_in_dim3A_62 = vector.broadcast %broadcast_in_dim3A_61 : vector<1x8192xf32> to vector<256x8192xf32>
    %broadcast_in_dim3A_63 = vector.broadcast %jit3A : f32 to vector<256x8192xf32>
    %select_n3A = arith.select %eq3A_60, %broadcast_in_dim3A_62, %broadcast_in_dim3A_63 : vector<256x8192xi1>, vector<256x8192xf32>
    %reduce_min3A_64 = arith.constant dense<0x7F800000> : vector<256xf32>
    %reduce_min3A_65 = vector.multi_reduction <minimumf>, %select_n3A, %reduce_min3A_64 [1] : vector<256x8192xf32> to vector<256xf32>
    %broadcast_in_dim3A_66 = vector.shape_cast %reduce_min3A_65 : vector<256xf32> to vector<256x1xf32>
    %convert_element_type3A = arith.fptosi %broadcast_in_dim3A_66 : vector<256x1xf32> to vector<256x1xi32>
    %swap3A = arith.constant 0 : index
    %swap3A_67 = arith.constant 0 : index
    %swap3A_68 = vector.load %arg9[%swap3A, %swap3A_67] : memref<256x1xi32, #tpu.memory_space<vmem>>, vector<256x1xi32>
    tpu.vector_store %arg9[%swap3A, %swap3A_67], %convert_element_type3A {strides = array<i32>} : memref<256x1xi32, #tpu.memory_space<vmem>>, vector<256x1xi32>,
    %eq3A_69 = vector.broadcast %get3A_59 : vector<1x8192xf32> to vector<256x8192xf32>
    %eq3A_70 = vector.broadcast %broadcast_in_dim3A_66 : vector<256x1xf32> to vector<256x8192xf32>
    %eq3A_71 = arith.cmpf oeq, %eq3A_69, %eq3A_70 : vector<256x8192xf32>
    %convert_element_type3A_72 = arith.extui %eq3A_71 : vector<256x8192xi1> to vector<256x8192xi32>
    %convert_element_type3A_73 = arith.sitofp %convert_element_type3A_72 : vector<256x8192xi32> to vector<256x8192xf32>
    %swap3A_74 = arith.constant 0 : index
    %swap3A_75 = arith.constant 0 : index
    %swap3A_76 = vector.load %arg10[%swap3A_74, %swap3A_75] : memref<256x8192xf32, #tpu.memory_space<vmem>>, vector<256x8192xf32>
    tpu.vector_store %arg10[%swap3A_74, %swap3A_75], %convert_element_type3A_73 {strides = array<i32>} : memref<256x8192xf32, #tpu.memory_space<vmem>>, vector<256x8192xf32>,
    return
  }
  func.func @transform_0(%arg0: i32) -> (i32, i32) {
    %c0_i32 = arith.constant 0 : i32
    %c0_i32_0 = arith.constant 0 : i32
    return %arg0, %c0_i32 : i32, i32
  }
  func.func @transform_1(%arg0: i32) -> (i32, i32) {
    %c0_i32 = arith.constant 0 : i32
    %c0_i32_0 = arith.constant 0 : i32
    %c0_i32_1 = arith.constant 0 : i32
    return %c0_i32, %c0_i32_0 : i32, i32
  }
  func.func @transform_2(%arg0: i32) -> (i32, i32) {
    %c0_i32 = arith.constant 0 : i32
    %c0_i32_0 = arith.constant 0 : i32
    %c0_i32_1 = arith.constant 0 : i32
    return %c0_i32, %c0_i32_0 : i32, i32
  }
  func.func @transform_3(%arg0: i32) -> (i32, i32) {
    %c0_i32 = arith.constant 0 : i32
    %c0_i32_0 = arith.constant 0 : i32
    %c0_i32_1 = arith.constant 0 : i32
    return %c0_i32, %c0_i32_0 : i32, i32
  }
  func.func @transform_4(%arg0: i32) -> (i32, i32) {
    %c0_i32 = arith.constant 0 : i32
    %c0_i32_0 = arith.constant 0 : i32
    %c0_i32_1 = arith.constant 0 : i32
    return %c0_i32, %c0_i32_0 : i32, i32
  }
  func.func @transform_5(%arg0: i32) -> (i32, i32) {
    %c0_i32 = arith.constant 0 : i32
    %c0_i32_0 = arith.constant 0 : i32
    %c0_i32_1 = arith.constant 0 : i32
    return %c0_i32, %c0_i32_0 : i32, i32
  }
  func.func @transform_6(%arg0: i32) -> (i32, i32) {
    %c0_i32 = arith.constant 0 : i32
    %c0_i32_0 = arith.constant 0 : i32
    %c0_i32_1 = arith.constant 0 : i32
    return %c0_i32, %c0_i32_0 : i32, i32
  }
  func.func @transform_7(%arg0: i32) -> (i32, i32) {
    %c0_i32 = arith.constant 0 : i32
    %c0_i32_0 = arith.constant 0 : i32
    %c0_i32_1 = arith.constant 0 : i32
    return %c0_i32, %c0_i32_0 : i32, i32
  }
  func.func @transform_8(%arg0: i32) -> (i32, i32) {
    %c0_i32 = arith.constant 0 : i32
    %c0_i32_0 = arith.constant 0 : i32
    return %arg0, %c0_i32 : i32, i32
  }
  func.func @transform_9(%arg0: i32) -> (i32, i32) {
    %c0_i32 = arith.constant 0 : i32
    %c0_i32_0 = arith.constant 0 : i32
    return %arg0, %c0_i32 : i32, i32
  }
}

</mosaic_0001>

<sc_bundles>
// kernel: kernel.5.cloned.1.call-start
scs
__scs_entry_jumppad:
0x0: {  	(pc) =	sbr.rel $0x88, $3  }
0x1: {  	(tag) =	ssettag $0x0;
	lr =	simm.s32 $0x1  }
0x2: {  	[smem:$0x3F9B] =	sst lr;
	_ =	strace $0xD0000000  }
0x3: {  	_ = 	snop  }
0x4: {  	_ = 	snop  }
0x5: {  	_ = 	snop  }
0x6: {  	_ = 	snop  }
0x7: {  	_ = 	snop  }
__scs_overlays_trampoline_lowered:
0x8: {  	[smem:$0x3FAA] =	sst s0  }
0x9: {  	[smem:$0x3FAB] =	sst s1  }
0xa: {  	[smem:$0x3FAC] =	sst s2  }
0xb: {  	[smem:$0x3FAD] =	sst s3  }
0xc: {  	[smem:$0x3FAE] =	sst s4  }
0xd: {  	[smem:$0x3FAF] =	sst s5  }
0xe: {  	[smem:$0x3FB0] =	sst s6  }
0xf: {  	[smem:$0x3FB1] =	sst s7  }
0x10: {  	[smem:$0x3FB2] =	sst s8  }
0x11: {  	[smem:$0x3FB3] =	sst s9;
	s0 =	simm.s32 @!p0 $0x0  }
0x12: {  	s1 =	sld [smem:$0x3F99];
	s0 =	simm.s32 @p0 $0x1  }
0x13: {  	[smem:$0x3FB4] =	sst s0;
	s0 =	simm.s32 @!p1 $0x0  }
0x14: {  	s2 =	sld [smem:$0x3F98];
	s0 =	simm.s32 @p1 $0x1  }
0x15: {  	[smem:$0x3FB5] =	sst s0;
	s0 =	simm.s32 @!p2 $0x0  }
0x16: {  	s3 =	sld [smem:$0x3FDB];
	s0 =	simm.s32 @p2 $0x1  }
0x17: {  	s4 =	simm.s32 $0x1BF5;
	[smem:$0x3FB7] =	sst s0  }
0x18: {  	s0 =	sld [smem:$0x3F9A];
	_ =	swait.ge [sflag:s4], $0x0  }
0x19: {  	s7 =	sld [smem:$0x3F9B]  }
0x1a: {  	s8 =	sadd.s32 $0xFFFFE003, lr  }
0x1b: {  	s9 =	sadd.s32 $0xFFFFFEF7, lr;
	s5 =	simm.s32 $0xFFFFFFFF;
	p2 =	slt.u32 s8, $0xFFFFF086  }
0x1c: {  	p1 =	slt.u32 s9, $0xF7A;
	s5 =	simm.s32 @!p2 $0x0  }
0x1d: {  	s5 =	simm.s32 @p1 $0x1;
	p0 =	seq.s32 s7, s2  }
0x1e: {  	s7 =	smul.u32 @!p0 $0xF7A, s2;
	p2 =	seq.s32 @!p0 s5, $0x0  }
0x1f: {  	s9 =	smul.u32 $0xF7A, s1;
	s8 =	simm.s32 @!p0 $0x1BF5;
	p2 =	por !p2, p0  }
0x20: {  	[sflag:s8] =	ssyncset.s32 @!p0 $0xFFFFF086;
	s6 =	sadd.s32 @!p0 s3, s7;
	s7 =	simm.s32 @!p0 $0x108  }
0x21: {  	s3 =	sadd.s32 s3, s9;
	s6 =	sadd.s32 @!p0 $0x88, s6;
	s7 =	simm.s32 @p2 $0x1082  }
0x22: {  	[simem:s7], [sflag:s8] =	dma.local @!p0 [hbm:s6], $0xF7A  }
0x23: {  	s9 =	sor.u32 $0xD0000000, s2;
	s6 =	simm.s32 $0x108;
	_ =	swait.ge @!p0 [sflag:s8], $0x0  }
0x24: {  	s3 =	sadd.s32 $0x88, s3;
	s6 =	simm.s32 @!p1 $0x1082;
	[sflag:s4] =	ssyncset.s32 $0xFFFFF086  }
0x25: {  	[simem:s6], [sflag:s4] =	dma.local [hbm:s3], $0xF7A  }
0x26: {  	[smem:$0x3F9B] =	sst s1;
	(tag) =	ssettag s2;
	_ =	strace s9  }
0x27: {  	s1 =	sld [smem:$0x3FAB]  }
0x28: {  	s2 =	sld [smem:$0x3FAC]  }
0x29: {  	s4 =	sld [smem:$0x3FAE]  }
0x2a: {  	p0 =	seq.s32 s5, $0x0;
	s5 =	sld [smem:$0x3FAF]  }
0x2b: {  	s6 =	sld [smem:$0x3FB0]  }
0x2c: {  	s7 =	sld [smem:$0x3FB1]  }
0x2d: {  	s3 =	simm.s32 $0x108;
	s8 =	sld [smem:$0x3FB2]  }
0x2e: {  	s3 =	simm.s32 @!p0 $0x1082;
	s9 =	sld [smem:$0x3FB3]  }
0x2f: {  	lr =	sadd.s32 s0, s3;
	s0 =	sld [smem:$0x3FAA]  }
0x30: {  	s3 =	sld [smem:$0x3FAD]  }
0x31: {  	[smem:$0x3FB6] =	sst s10  }
0x32: {  	s10 =	sld [smem:$0x3FB4];
	_ =	sdelay $0x3  }
0x33: {  	p0 =	seq.s32 s10, $0x1;
	s10 =	sld [smem:$0x3FB6];
	_ =	sdelay $0x3  }
0x34: {  	[smem:$0x3FB6] =	sst s10  }
0x35: {  	s10 =	sld [smem:$0x3FB5];
	_ =	sdelay $0x3  }
0x36: {  	p1 =	seq.s32 s10, $0x1;
	s10 =	sld [smem:$0x3FB6];
	_ =	sdelay $0x3  }
0x37: {  	[smem:$0x3FB6] =	sst s10  }
0x38: {  	s10 =	sld [smem:$0x3FB7]  }
0x39: {  	_ = 	snop;
	(pc) =	sbr.ind lr, $3  }
0x3a: {  	_ = 	snop  }
0x3b: {  	_ = 	snop  }
0x3c: {  	p2 =	seq.s32 s10, $0x1;
	s10 =	sld [smem:$0x3FB6]  }
0x3d: {  	_ =	shalt  }
0x3e: {  	_ =	shalt  }
0x3f: {  	_ =	shalt  }
0x40: {  	_ =	shalt  }
0x41: {  	_ =	shalt  }
0x42: {  	_ =	shalt  }
0x43: {  	_ =	shalt  }
0x44: {  	_ =	shalt  }
0x45: {  	_ =	shalt  }
0x46: {  	_ =	shalt  }
0x47: {  	_ =	shalt  }
0x48: {  	_ =	shalt  }
0x49: {  	_ =	shalt  }
0x4a: {  	_ =	shalt  }
0x4b: {  	_ =	shalt  }
0x4c: {  	_ =	shalt  }
0x4d: {  	_ =	shalt  }
0x4e: {  	_ =	shalt  }
0x4f: {  	_ =	shalt  }
0x50: {  	_ =	shalt  }
0x51: {  	_ =	shalt  }
0x52: {  	_ =	shalt  }
0x53: {  	_ =	shalt  }
0x54: {  	_ =	shalt  }
0x55: {  	_ =	shalt  }
0x56: {  	_ =	shalt  }
0x57: {  	_ =	shalt  }
0x58: {  	_ =	shalt  }
0x59: {  	_ =	shalt  }
0x5a: {  	_ =	shalt  }
0x5b: {  	_ =	shalt  }
0x5c: {  	_ =	shalt  }
0x5d: {  	_ =	shalt  }
0x5e: {  	_ =	shalt  }
0x5f: {  	_ =	shalt  }
0x60: {  	_ =	shalt  }
0x61: {  	_ =	shalt  }
0x62: {  	_ =	shalt  }
0x63: {  	_ =	shalt  }
0x64: {  	_ =	shalt  }
0x65: {  	_ =	shalt  }
0x66: {  	_ =	shalt  }
0x67: {  	_ =	shalt  }
0x68: {  	_ =	shalt  }
0x69: {  	_ =	shalt  }
0x6a: {  	_ =	shalt  }
0x6b: {  	_ =	shalt  }
0x6c: {  	_ =	shalt  }
0x6d: {  	_ =	shalt  }
0x6e: {  	_ =	shalt  }
0x6f: {  	_ =	shalt  }
0x70: {  	_ =	shalt  }
0x71: {  	_ =	shalt  }
0x72: {  	_ =	shalt  }
0x73: {  	_ =	shalt  }
0x74: {  	_ =	shalt  }
0x75: {  	_ =	shalt  }
0x76: {  	_ =	shalt  }
0x77: {  	_ =	shalt  }
0x78: {  	_ =	shalt  }
0x79: {  	_ =	shalt  }
0x7a: {  	_ =	shalt  }
0x7b: {  	_ =	shalt  }
0x7c: {  	_ =	shalt  }
0x7d: {  	_ =	shalt  }
0x7e: {  	_ =	shalt  }
0x7f: {  	_ =	shalt  }
0x80: {  	_ =	shalt  }
0x81: {  	_ =	shalt  }
0x82: {  	_ =	shalt  }
0x83: {  	_ =	shalt  }
0x84: {  	_ =	shalt  }
0x85: {  	_ =	shalt  }
0x86: {  	_ =	shalt  }
0x87: {  	_ =	shalt  }
.Lfunc_end0:
.L_simem_size_0:
called_computation_lowered:
.L_overlay_start_0:
0x88: {  	s2 =	sld [smem:$0x3FD9]  }
0x89: {  	s3 =	sld [smem:$0x3FFE];
	_ =	sdelay $0x1  }
0x8a: {  	s1 =	srdreg.scid  }
0x8b: {  	s0 =	sand.u32 $0x1, s1  }
0x8c: {  	s14 =	sshll.u32 s0, $0xA;
	s2 =	sadd.s32 s3, s2  }
0x8d: {  	s2 =	sadd.s32 s2, s14  }
0x8e: {  	[smem:$0x3FC2] =	sst s2  }
0x8f: {  	_ = 	snop  }
0x90: {  	s2 =	sld [smem:$0x3FD0];
	_ =	sdelay $0x2  }
0x91: {  	s15 =	simm.s32 $0xA;
	s4 =	simm.s32 $0x10  }
0x92: {  	[smem:s4], [sflag:s15] =	dma.local [hbm:s2], $0x1  }
0x93: {  	_ =	swait.eq [sflag:s15], $0x1  }
0x94: {  	[sflag:s15] =	ssyncset.done $0x0  }
0x95: {  	[sflag:s15] =	ssyncadd.s32 $0xFFFFFFFF  }
0x96: {  	s16 =	sld [smem:$0x10];
	(tm) =	ssettm $0x1  }
0x97: {  	s17 =	sld [smem:$0x3FFB];
	_ =	sdelay $0x3  }
0x98: {  	_ =	strace s17  }
0x99: {  	s3 =	sld [smem:$0x3FFC];
	_ =	sdelay $0x3  }
0x9a: {  	_ =	strace s3  }
0x9b: {  	s3 =	sld [smem:$0x3FFD];
	_ =	sdelay $0x3  }
0x9c: {  	_ =	strace s3  }
0x9d: {  	_ =	strace $0x8FFFFFFF  }
0x9e: {  	s18 =	sld [smem:$0x3FDB];
	_ =	sdelay $0x1  }
0x9f: {  	s19 =	simm.s32 $_scs_section_size  }
0xa0: {  	s5 =	simm.s32 $_size__tile_overlayer_lowered;
	s6 =	simm.s32 $_tile_overlayer_lowered  }
0xa1: {  	s22 =	simm.s32 $0x1BFF;
	s21 =	sshll.u32 s6, $0x1;
	s3 =	sadd.s32 s19, s18  }
0xa2: {  	s7 =	simm.s32 $0x0;
	s20 =	sshll.u32 s5, $0x1;
	s5 =	sadd.s32 s21, s3  }
0xa3: {  	[timem:s7], [sflag:s22] =	dma.local [hbm:s5], s20  }
0xa4: {  	_ =	swait.ge [sflag:s22], s20  }
0xa5: {  	s4 =	ssub.s32 $0x0, s20;
	[sflag:s22] =	ssyncset.done $0x0  }
0xa6: {  	[sflag:s22] =	ssyncadd.s32 s4;
	_ =	sdelay $0x1  }
0xa7: {  	s23 =	simm.s32 $0x1B8B  }
0xa8: {  	_ =	swait.ge [sflag:s23], $0x1  }
0xa9: {  	[sflag:s23] =	ssyncset.done $0x0  }
0xaa: {  	s25 =	simm.s32 $0x1B8E;
	s24 =	sld [smem:$0x3FFE];
	[sflag:s23] =	ssyncadd.s32 $0xFFFFFFFF  }
0xab: {  	s26 =	simm.s32 $execute0_lowered;
	[smem:$0x3FD2] =	sst s25  }
0xac: {  	s5 =	sshll.u32 s26, $0x1;
	_ =	strace $0x80000046;
	[dreg:$0x1] =	wrdreg $0xFFFFFFFF  }
0xad: {  	s28 =	simm.s32 $_size_execute0_lowered;
	s3 =	sadd.s32 s3, s5;
	[dreg:$0x0] =	wrdreg $0x0  }
0xae: {  	s5 =	sshll.u32 s28, $0x1;
	[dreg:$0x2] =	wrdreg s3  }
0xaf: {  	[dreg:$0x3] =	wrdreg s5  }
0xb0: {  	[dreg:$0x4] =	wrdreg $0xC0  }
0xb1: {  	_ =	task [dreg:s7], $0x5FFFF  }
0xb2: {  	[dreg:$0x1] =	wrdreg $0xFFFFFFFF  }
0xb3: {  	[dreg:$0x0] =	wrdreg $0x60  }
0xb4: {  	[dreg:$0x2] =	wrdreg s24  }
0xb5: {  	[dreg:$0x3] =	wrdreg s16  }
0xb6: {  	[dreg:$0x4] =	wrdreg $0x9  }
0xb7: {  	_ =	task.clear_ibuf [dreg:s7], $0x5FFFF;
	_ =	strace $0x90000046  }
0xb8: {  	s29 =	simm.s32 $0x9;
	_ =	strace $0x80000048  }
0xb9: {  	_ =	swait.ge [sflag:s29], $0x1  }
0xba: {  	[sflag:s29] =	ssyncadd.s32 $0xFFFFFFFF  }
0xbb: {  	_ =	strace $0x90000048  }
0xbc: {  	_ =	sfence  }
0xbd: {  	s30 =	sld [smem:$0x0];
	_ =	sdelay $0x2  }
0xbe: {  	s31 =	sshll.u32 s1, $0xD;
	s1 =	sshrl.u32 s1, $0x2  }
0xbf: {  	s3 =	sand.u32 $0x4000, s31;
	s1 =	sadd.s32 s1, s30  }
0xc0: {  	s0 =	sor.u32 s3, s0;
	s1 =	sshll.u32 s1, $0x11  }
0xc1: {  	s0 =	sor.u32 s1, s0  }
0xc2: {  	s0 =	sadd.s32 $0x8F2B, s0  }
0xc3: {  	[sflag:s0] =	ssyncadd.remote.s32 $0x1  }
0xc4: {  	_ =	sfence.sel $0xFFFF  }
0xc5: {  	[dreg:$0x0] =	wrdreg $0xFFFFFFFF;
	(pc) =	sbr.abs _section_cstart, $3  }
0xc6: {  	[dreg:$0x1] =	wrdreg $0xFFFFFFFF  }
0xc7: {  	_ =	task.clear_ibuf [dreg:s7], $0x2FFFF;
	_ =	strace $0x9FFFFFFF  }
0xc8: {  	(tm) =	ssettm $0x7FFFFFFF  }
0xc9: {  	_ =	shalt  }
tec
execute0_lowered:
.L_overlay_start_1:
0x0: {  	(tag) =	ssettag $0x1  }
0x1: {  	s1 =	srdreg.scid  }
0x2: {  	s8 =	rddreg [dreg:$0x0];
	s0 =	stileid.u32  }
0x3: {  	s3 =	rddreg [dreg:$0x1];
	s2 =	simm.s32 $0x0;
	s6 =	sand.u32 $0x1, s1  }
0x4: {  	s4 =	sshll.u32 s0, $0x8;
	s1 =	rddreg [dreg:$0x2];
	s5 =	sshll.u32 s6, $0x7  }
0x5: {  	s7 =	simm.s32 $0x1;
	[smem:$0x7FF] =	sst s2;
	s9 =	sor.u32 s5, s4  }
0x6: {  	_ =	strace $0x80000047;
	s10 =	ssub.s32 $0x2, s6;
	s4 =	sshrl.u32 s9, $0x3  }
0x7: {  	s6 =	simm.s32 $0x80;
	s4 =	sadd.s32 s3, s4;
	s3 =	simm.s32 $0x2  }
0x8: {  	[tilespmem:s2], [sflag:$0x2] =	stream.linear.gather [hbm4b:s4+s2], $0x80, $0x38;
	[tilespmem:$0x4080] =	vst v63  }
0x9: {  	s5 =	sadd.s32 $0xE00, s8;
	s11 =	sshrl.u32 s10, $0x1;
	_ =	swait.ge [sflag:s3], $0x80  }
0xa: {  	s9 =	sshll.u32 s9, $0x4;
	s31 =	ssub.s32 s10, s11;
	[sflag:s3] =	ssyncset.done $0x0  }
0xb: {  	s8 =	sadd.s32 s9, s8;
	s9 =	smax.u32 s31, $0x1;
	[sflag:s3] =	ssyncadd.s32 $0xFFFFFF80  }
0xc: {  	[tilespmem:s6], [sflag:$0x1] =	stream.indirect.gather [hbm4b:s5+s6], $0x80, s2, s6, $0xb8;
	[tilespmem:$0x4080] =	vst v63  }
0xd: {  	p0 =	sne.s32 s9, $0x1;
	_ =	swait.ge [sflag:s7], $0x4000  }
.Ltmp0:
0xe: {  	[sflag:s7] =	ssyncset.done $0x0;
	(pc) =	sbr.rel @!p0 .LBB2_2-.Ltmp0, $4  }
0xf: {  	s8 =	sadd.s32 $0x20E00, s8;
	[sflag:s7] =	ssyncadd.s32 $0xFFFFC000  }
0x10: {  	[hbm4b:s8+s2] =	stream.linear.scatter [tilespmem:s6], [sflag:$0x2], $0x4000, $0x38;
	[tilespmem:$0x4080] =	vst v63  }
0x11: {  	_ =	swait.ge [sflag:s3], $0x4000  }
0x12: {  	s9 =	sadd.s32 $0xFFFFFFFF, s9;
	[sflag:s3] =	ssyncset.done $0x0  }
.LBB2_1:
0x13: {  	p0 =	sne.s32 s9, $0x1;
	s9 =	sadd.s32 $0xFFFFFFFF, s9;
	[sflag:s3] =	ssyncadd.s32 $0xFFFFC000  }
0x14: {  	[tilespmem:s2], [sflag:$0x2] =	stream.linear.gather [hbm4b:s4+s2], $0x80, $0x38;
	[tilespmem:$0x4080] =	vst v63  }
0x15: {  	_ =	swait.ge [sflag:s3], $0x80  }
0x16: {  	[sflag:s3] =	ssyncset.done $0x0  }
0x17: {  	[sflag:s3] =	ssyncadd.s32 $0xFFFFFF80  }
0x18: {  	[tilespmem:s6], [sflag:$0x1] =	stream.indirect.gather [hbm4b:s5+s6], $0x80, s2, s6, $0xb8;
	[tilespmem:$0x4080] =	vst v63  }
0x19: {  	_ =	swait.ge [sflag:s7], $0x4000  }
.Ltmp1:
0x1a: {  	[sflag:s7] =	ssyncset.done $0x0;
	(pc) =	sbr.rel @p0 .LBB2_1-.Ltmp1, $4  }
0x1b: {  	[sflag:s7] =	ssyncadd.s32 $0xFFFFC000  }
0x1c: {  	[hbm4b:s8+s2] =	stream.linear.scatter [tilespmem:s6], [sflag:$0x2], $0x4000, $0x38;
	[tilespmem:$0x4080] =	vst v63  }
0x1d: {  	_ =	swait.ge [sflag:s3], $0x4000  }
0x1e: {  	[sflag:s3] =	ssyncset.done $0x0  }
.LBB2_2:
0x1f: {  	[sflag:s3] =	ssyncadd.s32 $0xFFFFC000  }
0x20: {  	_ =	sfence.sel $0x180000  }
0x21: {  	[bflag:$0x0] =	sbarrier.arrive $0xFFFF  }
0x22: {  	p0 =	sne.s32 s0, $0x0;
	_ =	strace $0x90000047  }
0x23: {  	s0 =	sadd.s32 @!p0 $0x100000, s1;
	[bflag:$0x2] =	sbarrier.arrive $0xFFFF  }
0x24: {  	[sflag:s0] =	ssyncadd.tile.s32 @!p0 $0x1;
	_ =	shalt  }
.Lfunc_end2:
_tile_overlayer_lowered:
.L_overlay_start_2:
0x25: {  	(tag) =	ssettag $0x2  }
0x26: {  	s0 =	rddreg [dreg:$0x0];
	s2 =	stileid.u32  }
0x27: {  	s1 =	rddreg [dreg:$0x1];
	p0 =	sne.s32 s2, $0x0  }
0x28: {  	s3 =	rddreg [dreg:$0x2];
	[bflag:$0x3] =	sbarrier.arrive $0xFFFF;
	s2 =	simm.s32 @!p0 $0x1C02  }
0x29: {  	[timem:s3], [sflag:s2] =	dma.local @!p0 [hbm:s0], s1  }
0x2a: {  	s0 =	simm.s32 @!p0 $0x2  }
0x2b: {  	_ =	swait.ge @!p0 [sflag:s0], s1  }
0x2c: {  	s1 =	ssub.s32 @!p0 $0x0, s1;
	[sflag:s0] =	ssyncset.done @!p0 $0x0  }
0x2d: {  	[sflag:s0] =	ssyncadd.s32 @!p0 s1  }
0x2e: {  	[bflag:$0x3] =	sbarrier.arrive $0xFFFF  }
0x2f: {  	_ =	shalt  }

</sc_bundles>
